<compile_context>
chip_gen: v7x
topology: tpu7x:2x2x1
jax: 0.10.2.dev20260603
libtpu: 0.0.44.dev20260713+nightly
codegen_flags: <defaults>
</compile_context>

<pallas_src>
import jax
import jax.numpy as jnp
from jax import lax
from jax.experimental import pallas as pl
from jax.experimental.pallas import tpu as pltpu
from jax.experimental.pallas import tpu_sc as plsc

_BATCH = 16384
_TAB = 1000
_NW = 16
_BPW = _BATCH // _NW
_L = 16


def _body(t_hbm, a_hbm, s_hbm, out_a, out_s,
          ta_v, ts_v, idx_v, oa_v, os_v, sem_in, sem_out):
    base = lax.axis_index("s") * _BPW
    ca = pltpu.make_async_copy(a_hbm, ta_v, sem_in)
    cs = pltpu.make_async_copy(s_hbm, ts_v, sem_in)
    ci = pltpu.make_async_copy(t_hbm.at[pl.ds(base, _BPW)], idx_v, sem_in)
    ca.start()
    cs.start()
    ci.start()
    ca.wait()
    cs.wait()
    ci.wait()
    @plsc.parallel_loop(0, _BPW, _L, unroll=8)
    def _gather(i):
        iv = idx_v[pl.ds(i, _L)]
        oa_v[pl.ds(i, _L)] = plsc.load_gather(ta_v, [iv])
        os_v[pl.ds(i, _L)] = plsc.load_gather(ts_v, [iv])
    coa = pltpu.make_async_copy(oa_v, out_a.at[pl.ds(base, _BPW)], sem_out)
    cos = pltpu.make_async_copy(os_v, out_s.at[pl.ds(base, _BPW)], sem_out)
    coa.start()
    cos.start()
    coa.wait()
    cos.wait()


def kernel(t, sqrt_alpha_bar, sqrt_one_minus_alpha_bar):
    t32 = t.astype(jnp.int32)
    a = sqrt_alpha_bar.astype(jnp.float32)
    s = sqrt_one_minus_alpha_bar.astype(jnp.float32)
    run = pl.kernel(
        _body,
        out_type=(
            jax.ShapeDtypeStruct((_BATCH,), jnp.float32),
            jax.ShapeDtypeStruct((_BATCH,), jnp.float32),
        ),
        mesh=plsc.VectorSubcoreMesh(
            core_axis_name="c", subcore_axis_name="s", num_cores=1),
        compiler_params=pltpu.CompilerParams(needs_layout_passes=False),
        scratch_types=[
            pltpu.VMEM((_TAB,), jnp.float32),
            pltpu.VMEM((_TAB,), jnp.float32),
            pltpu.VMEM((_BPW,), jnp.int32),
            pltpu.VMEM((_BPW,), jnp.float32),
            pltpu.VMEM((_BPW,), jnp.float32),
            pltpu.SemaphoreType.DMA,
            pltpu.SemaphoreType.DMA,
        ],
    )
    return run(t32, a, s)

# --- scband reference (transcript-rebuilt; emitter-appended) ---
"""Pipeline reference for scband-noise-scheduler-69939247448148 (READ-ONLY COPY).

The authoritative reference and input builder live on the scoring server;
editing this copy changes nothing except your own understanding.
"""

import jax, jax.numpy as jnp
import numpy as np

T = 1000
BATCH = 16384

def _linear_schedule(Tmax, beta_min=0.0001, beta_max=0.02):
    betas = jnp.linspace(beta_min, beta_max, Tmax)
    alphas = 1.0 - betas
    alpha_bars = jnp.cumprod(alphas)
    return alpha_bars, alphas, betas

def setup_inputs(seed: int = 0) -> dict:
    key = jax.random.key(seed)
    t = jax.random.randint(key, (BATCH,), 0, T, dtype=jnp.int64 if jax.config.jax_enable_x64 else jnp.int32)
    alpha_bar, alphas, betas = _linear_schedule(T)
    sqrt_alpha_bar = jnp.sqrt(alpha_bar).astype(jnp.float32)
    sqrt_one_minus_alpha_bar = jnp.sqrt(1.0 - alpha_bar).astype(jnp.float32)
    return {"t": t, "sqrt_alpha_bar": sqrt_alpha_bar, "sqrt_one_minus_alpha_bar": sqrt_one_minus_alpha_bar}

def reference(t, sqrt_alpha_bar, sqrt_one_minus_alpha_bar):
    # Faithful translation of NoiseScheduler.forward: buffer gather by timestep index
    alpha = jnp.take(sqrt_alpha_bar, t, axis=0)
    sigma = jnp.take(sqrt_one_minus_alpha_bar, t, axis=0)
    return (alpha, sigma)

if __name__ == "__main__":
    import jax
    _d = setup_inputs()
    print(jax.jit(kernel)(*tuple(_d.values())))

</pallas_src>

<mosaic_0001>
#map = affine_map<(d0, d1) -> (0)>
module attributes {stable_mosaic.version = 14 : i64} {
  func.func @_body(%arg0: i32, %arg1: i32, %arg2: memref<16384xi32, #tpu.memory_space<hbm>>, %arg3: memref<1000xf32, #tpu.memory_space<hbm>>, %arg4: memref<1000xf32, #tpu.memory_space<hbm>>, %arg5: memref<16384xf32, #tpu.memory_space<hbm>>, %arg6: memref<16384xf32, #tpu.memory_space<hbm>>, %arg7: memref<1000xf32, #tpu.memory_space<vmem>>, %arg8: memref<1000xf32, #tpu.memory_space<vmem>>, %arg9: memref<1024xi32, #tpu.memory_space<vmem>>, %arg10: memref<1024xf32, #tpu.memory_space<vmem>>, %arg11: memref<1024xf32, #tpu.memory_space<vmem>>, %arg12: memref<!tpu.dma_semaphore, #tpu.memory_space<semaphore_mem>>, %arg13: memref<!tpu.dma_semaphore, #tpu.memory_space<semaphore_mem>>) attributes {dimension_semantics = [#tpu.dimension_semantics<core_parallel>, #tpu.dimension_semantics<subcore_parallel>], iteration_bounds = array<i64: 1, 16>, scalar_prefetch = 0 : i64, scratch_operands = 7 : i64, tpu.core_type = #tpu.core_type<sc_vector_subcore>, window_params = [{transform_indices = #map}, {transform_indices = #map}, {transform_indices = #map}, {transform_indices = #map}, {transform_indices = #map}]} {
    %mul3A = arith.constant 1024 : i32
    %mul3A_0 = arith.muli %arg1, %mul3A : i32
    tpu.enqueue_dma source(%arg3 : memref<1000xf32, #tpu.memory_space<hbm>>) target(%arg7 : memref<1000xf32, #tpu.memory_space<vmem>>) target_semaphore(%arg12 : memref<!tpu.dma_semaphore, #tpu.memory_space<semaphore_mem>>)
    tpu.enqueue_dma source(%arg4 : memref<1000xf32, #tpu.memory_space<hbm>>) target(%arg8 : memref<1000xf32, #tpu.memory_space<vmem>>) target_semaphore(%arg12 : memref<!tpu.dma_semaphore, #tpu.memory_space<semaphore_mem>>)
    %dma_start3A = tpu.memref_slice %arg2[%mul3A_0] : memref<16384xi32, #tpu.memory_space<hbm>> -> memref<1024xi32, #tpu.memory_space<hbm>>
    %dma_start3A_1 = tpu.memref_slice %arg2[%mul3A_0] : memref<16384xi32, #tpu.memory_space<hbm>> -> memref<1024xi32, #tpu.memory_space<hbm>>
    tpu.enqueue_dma source(%dma_start3A_1 : memref<1024xi32, #tpu.memory_space<hbm>>) target(%arg9 : memref<1024xi32, #tpu.memory_space<vmem>>) target_semaphore(%arg12 : memref<!tpu.dma_semaphore, #tpu.memory_space<semaphore_mem>>)
    tpu.wait_dma2 semaphore(%arg12 : memref<!tpu.dma_semaphore, #tpu.memory_space<semaphore_mem>>) src(%arg3 : memref<1000xf32, #tpu.memory_space<hbm>>) dst(%arg7 : memref<1000xf32, #tpu.memory_space<vmem>>)
    tpu.wait_dma2 semaphore(%arg12 : memref<!tpu.dma_semaphore, #tpu.memory_space<semaphore_mem>>) src(%arg4 : memref<1000xf32, #tpu.memory_space<hbm>>) dst(%arg8 : memref<1000xf32, #tpu.memory_space<vmem>>)
    %dma_wait3A = tpu.memref_slice %arg2[%mul3A_0] : memref<16384xi32, #tpu.memory_space<hbm>> -> memref<1024xi32, #tpu.memory_space<hbm>>
    %dma_wait3A_2 = tpu.memref_slice %arg2[%mul3A_0] : memref<16384xi32, #tpu.memory_space<hbm>> -> memref<1024xi32, #tpu.memory_space<hbm>>
    tpu.wait_dma2 semaphore(%arg12 : memref<!tpu.dma_semaphore, #tpu.memory_space<semaphore_mem>>) src(%dma_wait3A_2 : memref<1024xi32, #tpu.memory_space<hbm>>) dst(%arg9 : memref<1024xi32, #tpu.memory_space<vmem>>)
    %parallel_loop3A = arith.constant 0 : i32
    %parallel_loop3A_3 = arith.constant 1024 : i32
    %parallel_loop3A_4 = arith.constant 16 : i32
    scf.for %parallel_loop3A_13 = %parallel_loop3A to %parallel_loop3A_3 step %parallel_loop3A_4  : i32 {
      %parallel_loop3A_14 = arith.index_cast %parallel_loop3A_13 : i32 to index
      %parallel_loop3A_15 = tpu.vector_load %arg9[%parallel_loop3A_14] {strides = array<i32>} : memref<1024xi32, #tpu.memory_space<vmem>>, vector<16xi32>,
      %parallel_loop3A_16 = tpu.vector_load_idx %arg7[%parallel_loop3A_15] : memref<1000xf32, #tpu.memory_space<vmem>>[vector<16xi32>], vector<16xf32>,
      %parallel_loop3A_17 = arith.index_cast %parallel_loop3A_13 : i32 to index
      %parallel_loop3A_18 = tpu.vector_load %arg10[%parallel_loop3A_17] {strides = array<i32>} : memref<1024xf32, #tpu.memory_space<vmem>>, vector<16xf32>,
      tpu.vector_store %arg10[%parallel_loop3A_17], %parallel_loop3A_16 {strides = array<i32>} : memref<1024xf32, #tpu.memory_space<vmem>>, vector<16xf32>,
      %parallel_loop3A_19 = tpu.vector_load_idx %arg8[%parallel_loop3A_15] : memref<1000xf32, #tpu.memory_space<vmem>>[vector<16xi32>], vector<16xf32>,
      %parallel_loop3A_20 = arith.index_cast %parallel_loop3A_13 : i32 to index
      %parallel_loop3A_21 = tpu.vector_load %arg11[%parallel_loop3A_20] {strides = array<i32>} : memref<1024xf32, #tpu.memory_space<vmem>>, vector<16xf32>,
      tpu.vector_store %arg11[%parallel_loop3A_20], %parallel_loop3A_19 {strides = array<i32>} : memref<1024xf32, #tpu.memory_space<vmem>>, vector<16xf32>,
    } {sc.loop_unroll_factor = 8 : i64, sc.parallel_access}
    %dma_start3A_5 = tpu.memref_slice %arg5[%mul3A_0] : memref<16384xf32, #tpu.memory_space<hbm>> -> memref<1024xf32, #tpu.memory_space<hbm>>
    %dma_start3A_6 = tpu.memref_slice %arg5[%mul3A_0] : memref<16384xf32, #tpu.memory_space<hbm>> -> memref<1024xf32, #tpu.memory_space<hbm>>
    tpu.enqueue_dma source(%arg10 : memref<1024xf32, #tpu.memory_space<vmem>>) target(%dma_start3A_6 : memref<1024xf32, #tpu.memory_space<hbm>>) target_semaphore(%arg13 : memref<!tpu.dma_semaphore, #tpu.memory_space<semaphore_mem>>)
    %dma_start3A_7 = tpu.memref_slice %arg6[%mul3A_0] : memref<16384xf32, #tpu.memory_space<hbm>> -> memref<1024xf32, #tpu.memory_space<hbm>>
    %dma_start3A_8 = tpu.memref_slice %arg6[%mul3A_0] : memref<16384xf32, #tpu.memory_space<hbm>> -> memref<1024xf32, #tpu.memory_space<hbm>>
    tpu.enqueue_dma source(%arg11 : memref<1024xf32, #tpu.memory_space<vmem>>) target(%dma_start3A_8 : memref<1024xf32, #tpu.memory_space<hbm>>) target_semaphore(%arg13 : memref<!tpu.dma_semaphore, #tpu.memory_space<semaphore_mem>>)
    %dma_wait3A_9 = tpu.memref_slice %arg5[%mul3A_0] : memref<16384xf32, #tpu.memory_space<hbm>> -> memref<1024xf32, #tpu.memory_space<hbm>>
    %dma_wait3A_10 = tpu.memref_slice %arg5[%mul3A_0] : memref<16384xf32, #tpu.memory_space<hbm>> -> memref<1024xf32, #tpu.memory_space<hbm>>
    tpu.wait_dma2 semaphore(%arg13 : memref<!tpu.dma_semaphore, #tpu.memory_space<semaphore_mem>>) src(%arg10 : memref<1024xf32, #tpu.memory_space<vmem>>) dst(%dma_wait3A_10 : memref<1024xf32, #tpu.memory_space<hbm>>)
    %dma_wait3A_11 = tpu.memref_slice %arg6[%mul3A_0] : memref<16384xf32, #tpu.memory_space<hbm>> -> memref<1024xf32, #tpu.memory_space<hbm>>
    %dma_wait3A_12 = tpu.memref_slice %arg6[%mul3A_0] : memref<16384xf32, #tpu.memory_space<hbm>> -> memref<1024xf32, #tpu.memory_space<hbm>>
    tpu.wait_dma2 semaphore(%arg13 : memref<!tpu.dma_semaphore, #tpu.memory_space<semaphore_mem>>) src(%arg11 : memref<1024xf32, #tpu.memory_space<vmem>>) dst(%dma_wait3A_12 : memref<1024xf32, #tpu.memory_space<hbm>>)
    return
  }
}

</mosaic_0001>

<sc_bundles>
// kernel: kernel.3.cloned.1.call-start
scs
__scs_entry_jumppad:
0x0: {  	(pc) =	sbr.rel $0x88, $3  }
0x1: {  	(tag) =	ssettag $0x0;
	lr =	simm.s32 $0x1  }
0x2: {  	[smem:$0x3F9E] =	sst lr;
	_ =	strace $0xD0000000  }
0x3: {  	_ = 	snop  }
0x4: {  	_ = 	snop  }
0x5: {  	_ = 	snop  }
0x6: {  	_ = 	snop  }
0x7: {  	_ = 	snop  }
__scs_overlays_trampoline_lowered:
0x8: {  	[smem:$0x3FAD] =	sst s0  }
0x9: {  	[smem:$0x3FAE] =	sst s1  }
0xa: {  	[smem:$0x3FAF] =	sst s2  }
0xb: {  	[smem:$0x3FB0] =	sst s3  }
0xc: {  	[smem:$0x3FB1] =	sst s4  }
0xd: {  	[smem:$0x3FB2] =	sst s5  }
0xe: {  	[smem:$0x3FB3] =	sst s6  }
0xf: {  	[smem:$0x3FB4] =	sst s7  }
0x10: {  	[smem:$0x3FB5] =	sst s8  }
0x11: {  	[smem:$0x3FB6] =	sst s9;
	s0 =	simm.s32 @!p0 $0x0  }
0x12: {  	s1 =	sld [smem:$0x3F9C];
	s0 =	simm.s32 @p0 $0x1  }
0x13: {  	[smem:$0x3FB7] =	sst s0;
	s0 =	simm.s32 @!p1 $0x0  }
0x14: {  	s2 =	sld [smem:$0x3F9B];
	s0 =	simm.s32 @p1 $0x1  }
0x15: {  	[smem:$0x3FB8] =	sst s0;
	s0 =	simm.s32 @!p2 $0x0  }
0x16: {  	s3 =	sld [smem:$0x3FDB];
	s0 =	simm.s32 @p2 $0x1  }
0x17: {  	s4 =	simm.s32 $0x1BF5;
	[smem:$0x3FBA] =	sst s0  }
0x18: {  	s0 =	sld [smem:$0x3F9D];
	_ =	swait.ge [sflag:s4], $0x0  }
0x19: {  	s7 =	sld [smem:$0x3F9E]  }
0x1a: {  	s8 =	sadd.s32 $0xFFFFE003, lr  }
0x1b: {  	s9 =	sadd.s32 $0xFFFFFEF7, lr;
	s5 =	simm.s32 $0xFFFFFFFF;
	p2 =	slt.u32 s8, $0xFFFFF086  }
0x1c: {  	p1 =	slt.u32 s9, $0xF7A;
	s5 =	simm.s32 @!p2 $0x0  }
0x1d: {  	s5 =	simm.s32 @p1 $0x1;
	p0 =	seq.s32 s7, s2  }
0x1e: {  	s7 =	smul.u32 @!p0 $0xF7A, s2;
	p2 =	seq.s32 @!p0 s5, $0x0  }
0x1f: {  	s9 =	smul.u32 $0xF7A, s1;
	s8 =	simm.s32 @!p0 $0x1BF5;
	p2 =	por !p2, p0  }
0x20: {  	[sflag:s8] =	ssyncset.s32 @!p0 $0xFFFFF086;
	s6 =	sadd.s32 @!p0 s3, s7;
	s7 =	simm.s32 @!p0 $0x108  }
0x21: {  	s3 =	sadd.s32 s3, s9;
	s6 =	sadd.s32 @!p0 $0x88, s6;
	s7 =	simm.s32 @p2 $0x1082  }
0x22: {  	[simem:s7], [sflag:s8] =	dma.local @!p0 [hbm:s6], $0xF7A  }
0x23: {  	s9 =	sor.u32 $0xD0000000, s2;
	s6 =	simm.s32 $0x108;
	_ =	swait.ge @!p0 [sflag:s8], $0x0  }
0x24: {  	s3 =	sadd.s32 $0x88, s3;
	s6 =	simm.s32 @!p1 $0x1082;
	[sflag:s4] =	ssyncset.s32 $0xFFFFF086  }
0x25: {  	[simem:s6], [sflag:s4] =	dma.local [hbm:s3], $0xF7A  }
0x26: {  	[smem:$0x3F9E] =	sst s1;
	(tag) =	ssettag s2;
	_ =	strace s9  }
0x27: {  	s1 =	sld [smem:$0x3FAE]  }
0x28: {  	s2 =	sld [smem:$0x3FAF]  }
0x29: {  	s4 =	sld [smem:$0x3FB1]  }
0x2a: {  	p0 =	seq.s32 s5, $0x0;
	s5 =	sld [smem:$0x3FB2]  }
0x2b: {  	s6 =	sld [smem:$0x3FB3]  }
0x2c: {  	s7 =	sld [smem:$0x3FB4]  }
0x2d: {  	s3 =	simm.s32 $0x108;
	s8 =	sld [smem:$0x3FB5]  }
0x2e: {  	s3 =	simm.s32 @!p0 $0x1082;
	s9 =	sld [smem:$0x3FB6]  }
0x2f: {  	lr =	sadd.s32 s0, s3;
	s0 =	sld [smem:$0x3FAD]  }
0x30: {  	s3 =	sld [smem:$0x3FB0]  }
0x31: {  	[smem:$0x3FB9] =	sst s10  }
0x32: {  	s10 =	sld [smem:$0x3FB7];
	_ =	sdelay $0x3  }
0x33: {  	p0 =	seq.s32 s10, $0x1;
	s10 =	sld [smem:$0x3FB9];
	_ =	sdelay $0x3  }
0x34: {  	[smem:$0x3FB9] =	sst s10  }
0x35: {  	s10 =	sld [smem:$0x3FB8];
	_ =	sdelay $0x3  }
0x36: {  	p1 =	seq.s32 s10, $0x1;
	s10 =	sld [smem:$0x3FB9];
	_ =	sdelay $0x3  }
0x37: {  	[smem:$0x3FB9] =	sst s10  }
0x38: {  	s10 =	sld [smem:$0x3FBA]  }
0x39: {  	_ = 	snop;
	(pc) =	sbr.ind lr, $3  }
0x3a: {  	_ = 	snop  }
0x3b: {  	_ = 	snop  }
0x3c: {  	p2 =	seq.s32 s10, $0x1;
	s10 =	sld [smem:$0x3FB9]  }
0x3d: {  	_ =	shalt  }
0x3e: {  	_ =	shalt  }
0x3f: {  	_ =	shalt  }
0x40: {  	_ =	shalt  }
0x41: {  	_ =	shalt  }
0x42: {  	_ =	shalt  }
0x43: {  	_ =	shalt  }
0x44: {  	_ =	shalt  }
0x45: {  	_ =	shalt  }
0x46: {  	_ =	shalt  }
0x47: {  	_ =	shalt  }
0x48: {  	_ =	shalt  }
0x49: {  	_ =	shalt  }
0x4a: {  	_ =	shalt  }
0x4b: {  	_ =	shalt  }
0x4c: {  	_ =	shalt  }
0x4d: {  	_ =	shalt  }
0x4e: {  	_ =	shalt  }
0x4f: {  	_ =	shalt  }
0x50: {  	_ =	shalt  }
0x51: {  	_ =	shalt  }
0x52: {  	_ =	shalt  }
0x53: {  	_ =	shalt  }
0x54: {  	_ =	shalt  }
0x55: {  	_ =	shalt  }
0x56: {  	_ =	shalt  }
0x57: {  	_ =	shalt  }
0x58: {  	_ =	shalt  }
0x59: {  	_ =	shalt  }
0x5a: {  	_ =	shalt  }
0x5b: {  	_ =	shalt  }
0x5c: {  	_ =	shalt  }
0x5d: {  	_ =	shalt  }
0x5e: {  	_ =	shalt  }
0x5f: {  	_ =	shalt  }
0x60: {  	_ =	shalt  }
0x61: {  	_ =	shalt  }
0x62: {  	_ =	shalt  }
0x63: {  	_ =	shalt  }
0x64: {  	_ =	shalt  }
0x65: {  	_ =	shalt  }
0x66: {  	_ =	shalt  }
0x67: {  	_ =	shalt  }
0x68: {  	_ =	shalt  }
0x69: {  	_ =	shalt  }
0x6a: {  	_ =	shalt  }
0x6b: {  	_ =	shalt  }
0x6c: {  	_ =	shalt  }
0x6d: {  	_ =	shalt  }
0x6e: {  	_ =	shalt  }
0x6f: {  	_ =	shalt  }
0x70: {  	_ =	shalt  }
0x71: {  	_ =	shalt  }
0x72: {  	_ =	shalt  }
0x73: {  	_ =	shalt  }
0x74: {  	_ =	shalt  }
0x75: {  	_ =	shalt  }
0x76: {  	_ =	shalt  }
0x77: {  	_ =	shalt  }
0x78: {  	_ =	shalt  }
0x79: {  	_ =	shalt  }
0x7a: {  	_ =	shalt  }
0x7b: {  	_ =	shalt  }
0x7c: {  	_ =	shalt  }
0x7d: {  	_ =	shalt  }
0x7e: {  	_ =	shalt  }
0x7f: {  	_ =	shalt  }
0x80: {  	_ =	shalt  }
0x81: {  	_ =	shalt  }
0x82: {  	_ =	shalt  }
0x83: {  	_ =	shalt  }
0x84: {  	_ =	shalt  }
0x85: {  	_ =	shalt  }
0x86: {  	_ =	shalt  }
0x87: {  	_ =	shalt  }
.Lfunc_end0:
.L_simem_size_0:
called_computation_lowered:
.L_overlay_start_0:
0x88: {  	s0 =	sld [smem:$0x3FD9]  }
0x89: {  	s1 =	sld [smem:$0x3FFE];
	_ =	sdelay $0x3  }
0x8a: {  	s0 =	sadd.s32 s1, s0  }
0x8b: {  	[smem:$0x3FC5] =	sst s0  }
0x8c: {  	_ = 	snop  }
0x8d: {  	s0 =	sld [smem:$0x3FD0]  }
0x8e: {  	s14 =	sld [smem:$0x3FC9]  }
0x8f: {  	s2 =	sld [smem:$0x3FC8]  }
0x90: {  	s4 =	simm.s32 $0xA;
	s5 =	simm.s32 $0x10;
	s3 =	sld [smem:$0x3FC7]  }
0x91: {  	[smem:s5], [sflag:s4] =	dma.local [hbm:s0], $0x1  }
0x92: {  	_ =	swait.eq [sflag:s4], $0x1  }
0x93: {  	[sflag:s4] =	ssyncset.done $0x0  }
0x94: {  	s15 =	sld [smem:$0x10];
	[sflag:s4] =	ssyncadd.s32 $0xFFFFFFFF  }
0x95: {  	s16 =	sld [smem:$0x11];
	(tm) =	ssettm $0x1  }
0x96: {  	s17 =	sld [smem:$0x3FFB];
	_ =	sdelay $0x3  }
0x97: {  	_ =	strace s17  }
0x98: {  	s5 =	sld [smem:$0x3FFC];
	_ =	sdelay $0x3  }
0x99: {  	_ =	strace s5  }
0x9a: {  	s5 =	sld [smem:$0x3FFD];
	_ =	sdelay $0x3  }
0x9b: {  	_ =	strace s5  }
0x9c: {  	_ =	strace $0x8FFFFFFF  }
0x9d: {  	s18 =	sld [smem:$0x3FDB];
	_ =	sdelay $0x1  }
0x9e: {  	s6 =	simm.s32 $_scs_section_size  }
0x9f: {  	s7 =	simm.s32 $_size__tile_overlayer_lowered;
	s8 =	simm.s32 $_tile_overlayer_lowered  }
0xa0: {  	s21 =	simm.s32 $0x1BFF;
	s20 =	sshll.u32 s8, $0x1;
	s5 =	sadd.s32 s6, s18  }
0xa1: {  	s9 =	simm.s32 $0x0;
	s19 =	sshll.u32 s7, $0x1;
	s7 =	sadd.s32 s20, s5  }
0xa2: {  	[timem:s9], [sflag:s21] =	dma.local [hbm:s7], s19  }
0xa3: {  	_ =	swait.ge [sflag:s21], s19  }
0xa4: {  	s6 =	ssub.s32 $0x0, s19;
	[sflag:s21] =	ssyncset.done $0x0  }
0xa5: {  	[sflag:s21] =	ssyncadd.s32 s6;
	_ =	sdelay $0x1  }
0xa6: {  	s22 =	simm.s32 $0x1B8B  }
0xa7: {  	_ =	swait.ge [sflag:s22], $0x1  }
0xa8: {  	[sflag:s22] =	ssyncset.done $0x0  }
0xa9: {  	s23 =	simm.s32 $0x1B8E;
	[sflag:s22] =	ssyncadd.s32 $0xFFFFFFFF  }
0xaa: {  	s24 =	simm.s32 $execute0_lowered;
	[smem:$0x3FD2] =	sst s23  }
0xab: {  	s6 =	sshll.u32 s24, $0x1;
	_ =	strace $0x80000046;
	[dreg:$0x1] =	wrdreg $0xFFFFFFFF  }
0xac: {  	s25 =	simm.s32 $_size_execute0_lowered;
	s5 =	sadd.s32 s5, s6;
	[dreg:$0x0] =	wrdreg $0x0  }
0xad: {  	s6 =	sshll.u32 s25, $0x1;
	[dreg:$0x2] =	wrdreg s5  }
0xae: {  	[dreg:$0x3] =	wrdreg s6  }
0xaf: {  	[dreg:$0x4] =	wrdreg $0xC0  }
0xb0: {  	_ =	task [dreg:s9], $0x5FFFF  }
0xb1: {  	[dreg:$0x1] =	wrdreg $0xFFFFFFFF  }
0xb2: {  	[dreg:$0x0] =	wrdreg $0x60  }
0xb3: {  	[dreg:$0x2] =	wrdreg s14  }
0xb4: {  	[dreg:$0x3] =	wrdreg s2  }
0xb5: {  	[dreg:$0x4] =	wrdreg s3  }
0xb6: {  	[dreg:$0x5] =	wrdreg s15  }
0xb7: {  	[dreg:$0x6] =	wrdreg s16  }
0xb8: {  	[dreg:$0x7] =	wrdreg $0x9  }
0xb9: {  	_ =	task.clear_ibuf [dreg:s9], $0x8FFFF;
	_ =	strace $0x90000046  }
0xba: {  	s26 =	simm.s32 $0x9;
	_ =	strace $0x80000048  }
0xbb: {  	_ =	swait.ge [sflag:s26], $0x1  }
0xbc: {  	[sflag:s26] =	ssyncadd.s32 $0xFFFFFFFF  }
0xbd: {  	_ =	strace $0x90000048  }
0xbe: {  	_ =	sfence  }
0xbf: {  	s28 =	sld [smem:$0x0];
	_ =	sdelay $0x1  }
0xc0: {  	s29 =	srdreg.scid  }
0xc1: {  	s30 =	sshll.u32 s29, $0xD;
	s31 =	sshrl.u32 s29, $0x2  }
0xc2: {  	s1 =	sand.u32 $0x1, s29;
	s2 =	sand.u32 $0x4000, s30;
	s0 =	sadd.s32 s31, s28  }
0xc3: {  	s1 =	sor.u32 s2, s1;
	s0 =	sshll.u32 s0, $0x11  }
0xc4: {  	s0 =	sor.u32 s0, s1  }
0xc5: {  	s0 =	sadd.s32 $0x8F2B, s0  }
0xc6: {  	[sflag:s0] =	ssyncadd.remote.s32 $0x1  }
0xc7: {  	_ =	sfence.sel $0xFFFF  }
0xc8: {  	[dreg:$0x0] =	wrdreg $0xFFFFFFFF;
	(pc) =	sbr.abs _section_cstart, $3  }
0xc9: {  	[dreg:$0x1] =	wrdreg $0xFFFFFFFF  }
0xca: {  	_ =	task.clear_ibuf [dreg:s9], $0x2FFFF;
	_ =	strace $0x9FFFFFFF  }
0xcb: {  	(tm) =	ssettm $0x7FFFFFFF  }
tec
execute0_lowered:
.L_overlay_start_1:
0x0: {  	(tag) =	ssettag $0x1  }
0x1: {  	s7 =	rddreg [dreg:$0x0]  }
0x2: {  	s4 =	rddreg [dreg:$0x1]  }
0x3: {  	s8 =	rddreg [dreg:$0x2]  }
0x4: {  	s3 =	rddreg [dreg:$0x3]  }
0x5: {  	s2 =	rddreg [dreg:$0x4];
	s5 =	simm.s32 $0x0  }
0x6: {  	[smem:$0x7FF] =	sst s5  }
0x7: {  	s0 =	rddreg [dreg:$0x5];
	s1 =	stileid.u32;
	_ =	strace $0x80000047  }
0x8: {  	[tilespmem:s5], [sflag:$0x1] =	stream.linear.gather [hbm4b:s4+s5], $0x400, $0x38;
	[tilespmem:$0x1400] =	vst v63  }
0x9: {  	s6 =	simm.s32 $0x400;
	s4 =	sshll.u32 s1, $0x7  }
0xa: {  	[tilespmem:s6], [sflag:$0x1] =	stream.linear.gather [hbm4b:s8+s5], $0x400, $0x38;
	[tilespmem:$0x1400] =	vst v63  }
0xb: {  	s29 =	simm.s32 $0x800;
	s30 =	simm.s32 $0x1;
	s7 =	sadd.s32 s7, s4  }
0xc: {  	[tilespmem:s29], [sflag:$0x1] =	stream.linear.gather [hbm4b:s7+s5], $0x400, $0x38;
	[tilespmem:$0x1400] =	vst v63  }
0xd: {  	_ =	swait.ge [sflag:s30], $0x400  }
0xe: {  	[sflag:s30] =	ssyncset.done $0x0  }
0xf: {  	[sflag:s30] =	ssyncadd.s32 $0xFFFFFC00  }
0x10: {  	_ =	swait.ge [sflag:s30], $0x400  }
0x11: {  	[sflag:s30] =	ssyncset.done $0x0  }
0x12: {  	[sflag:s30] =	ssyncadd.s32 $0xFFFFFC00  }
0x13: {  	_ =	swait.ge [sflag:s30], $0x400  }
0x14: {  	[sflag:s30] =	ssyncset.done $0x0  }
0x15: {  	s31 =	simm.s32 $0x840;
	[sflag:s30] =	ssyncadd.s32 $0xFFFFFC00  }
0x16: {  	v0 =	vld [tilespmem:s31+$0x30]  }
0x17: {  	v1 =	vld [tilespmem:s31+$0xFFFFFFD0]  }
0x18: {  	v2 =	vld [tilespmem:s31+$0xFFFFFFE0]  }
0x19: {  	v3 =	vld [tilespmem:s31+$0xFFFFFFF0]  }
0x1a: {  	v4 =	vld [tilespmem:s31+$0x0]  }
0x1b: {  	v5 =	vld [tilespmem:s31+$0x10]  }
0x1c: {  	v6 =	vld [tilespmem:s31+$0x20]  }
0x1d: {  	v7 =	vld [tilespmem:s31+$0xFFFFFFC0]  }
0x1e: {  	v8 =	vld.idx.msk [tilespmem:v0+s5+$0x0], $0xffff  }
0x1f: {  	v9 =	vld.idx.msk [tilespmem:v1+s5+$0x0], $0xffff  }
0x20: {  	v10 =	vld.idx.msk [tilespmem:v2+s5+$0x0], $0xffff  }
0x21: {  	v11 =	vld.idx.msk [tilespmem:v3+s5+$0x0], $0xffff  }
0x22: {  	v12 =	vld.idx.msk [tilespmem:v4+s5+$0x0], $0xffff  }
0x23: {  	s7 =	simm.s32 $0xC40;
	v13 =	vld.idx.msk [tilespmem:v5+s5+$0x0], $0xffff  }
0x24: {  	v14 =	vld.idx.msk [tilespmem:v6+s5+$0x0], $0xffff;
	[tilespmem:s7+$0x30] =	vst v8  }
0x25: {  	v62 =	vld.idx.msk [tilespmem:v7+s5+$0x0], $0xffff;
	[tilespmem:s7+$0xFFFFFFD0] =	vst v9  }
0x26: {  	[tilespmem:s7+$0xFFFFFFE0] =	vst v10;
	v8 =	vld.idx.msk [tilespmem:v0+s6+$0x0], $0xffff  }
0x27: {  	[tilespmem:s7+$0xFFFFFFF0] =	vst v11;
	v63 =	vld.idx.msk [tilespmem:v1+s6+$0x0], $0xffff  }
0x28: {  	[tilespmem:s7+$0x0] =	vst v12;
	v0 =	vld.idx.msk [tilespmem:v2+s6+$0x0], $0xffff  }
0x29: {  	[tilespmem:s7+$0x10] =	vst v13;
	v1 =	vld.idx.msk [tilespmem:v3+s6+$0x0], $0xffff  }
0x2a: {  	[tilespmem:s7+$0x20] =	vst v14;
	v2 =	vld.idx.msk [tilespmem:v4+s6+$0x0], $0xffff  }
0x2b: {  	s8 =	simm.s32 $0x1040;
	[tilespmem:s7+$0xFFFFFFC0] =	vst v62;
	v3 =	vld.idx.msk [tilespmem:v5+s6+$0x0], $0xffff  }
0x2c: {  	v4 =	vld.idx.msk [tilespmem:v6+s6+$0x0], $0xffff;
	[tilespmem:s8+$0x30] =	vst v8  }
0x2d: {  	s9 =	simm.s32 $0x0;
	s10 =	simm.s32 $0x8C0;
	v5 =	vld.idx.msk [tilespmem:v7+s6+$0x0], $0xffff;
	[tilespmem:s8+$0xFFFFFFD0] =	vst v63  }
.LBB2_1:
0x2e: {  	v6 =	vld [tilespmem:s10+$0x30];
	s9 =	sadd.s32 $0x80, s9;
	[tilespmem:s8+$0xFFFFFFE0] =	vst v0  }
0x2f: {  	v0 =	vld [tilespmem:s10+$0xFFFFFFD0];
	p0 =	slt.u32 s9, $0x380;
	[tilespmem:s8+$0xFFFFFFF0] =	vst v1  }
0x30: {  	v1 =	vld [tilespmem:s10+$0xFFFFFFE0];
	[tilespmem:s8+$0x0] =	vst v2  }
0x31: {  	v2 =	vld [tilespmem:s10+$0xFFFFFFF0];
	[tilespmem:s8+$0x10] =	vst v3  }
0x32: {  	v3 =	vld [tilespmem:s10+$0x0];
	[tilespmem:s8+$0x20] =	vst v4  }
0x33: {  	v4 =	vld [tilespmem:s10+$0x10];
	[tilespmem:s8+$0xFFFFFFC0] =	vst v5  }
0x34: {  	v5 =	vld [tilespmem:s10+$0x20]  }
0x35: {  	v7 =	vld [tilespmem:s10+$0xFFFFFFC0]  }
0x36: {  	v8 =	vld.idx.msk [tilespmem:v6+s5+$0x0], $0xffff  }
0x37: {  	v9 =	vld.idx.msk [tilespmem:v0+s5+$0x0], $0xffff  }
0x38: {  	v10 =	vld.idx.msk [tilespmem:v1+s5+$0x0], $0xffff  }
0x39: {  	v11 =	vld.idx.msk [tilespmem:v2+s5+$0x0], $0xffff  }
0x3a: {  	v12 =	vld.idx.msk [tilespmem:v3+s5+$0x0], $0xffff  }
0x3b: {  	s7 =	sadd.s32 $0x80, s7;
	v13 =	vld.idx.msk [tilespmem:v4+s5+$0x0], $0xffff  }
0x3c: {  	v14 =	vld.idx.msk [tilespmem:v5+s5+$0x0], $0xffff;
	[tilespmem:s7+$0x30] =	vst v8  }
0x3d: {  	[tilespmem:s7+$0xFFFFFFD0] =	vst v9;
	v6 =	vld.idx.msk [tilespmem:v6+s6+$0x0], $0xffff  }
0x3e: {  	v8 =	vld.idx.msk [tilespmem:v7+s5+$0x0], $0xffff;
	[tilespmem:s7+$0xFFFFFFE0] =	vst v10  }
0x3f: {  	v9 =	vld.idx.msk [tilespmem:v0+s6+$0x0], $0xffff;
	[tilespmem:s7+$0xFFFFFFF0] =	vst v11  }
0x40: {  	v0 =	vld.idx.msk [tilespmem:v1+s6+$0x0], $0xffff;
	[tilespmem:s7+$0x0] =	vst v12  }
.Ltmp0:
0x41: {  	v1 =	vld.idx.msk [tilespmem:v2+s6+$0x0], $0xffff;
	[tilespmem:s7+$0x10] =	vst v13;
	(pc) =	sbr.rel @p0 .LBB2_1-.Ltmp0, $4  }
0x42: {  	s8 =	sadd.s32 $0x80, s8;
	v2 =	vld.idx.msk [tilespmem:v3+s6+$0x0], $0xffff;
	[tilespmem:s7+$0x20] =	vst v14  }
0x43: {  	v3 =	vld.idx.msk [tilespmem:v4+s6+$0x0], $0xffff;
	[tilespmem:s8+$0x30] =	vst v6  }
0x44: {  	[tilespmem:s7+$0xFFFFFFC0] =	vst v8;
	v4 =	vld.idx.msk [tilespmem:v5+s6+$0x0], $0xffff  }
0x45: {  	s10 =	sadd.s32 $0x80, s10;
	v5 =	vld.idx.msk [tilespmem:v7+s6+$0x0], $0xffff;
	[tilespmem:s8+$0xFFFFFFD0] =	vst v9  }
0x46: {  	[tilespmem:s8+$0xFFFFFFE0] =	vst v0  }
0x47: {  	[tilespmem:s8+$0xFFFFFFF0] =	vst v1  }
0x48: {  	[tilespmem:s8+$0x0] =	vst v2  }
0x49: {  	[tilespmem:s8+$0x10] =	vst v3  }
0x4a: {  	[tilespmem:s8+$0x20] =	vst v4  }
0x4b: {  	s3 =	sadd.s32 s3, s4;
	s5 =	simm.s32 $0x0;
	s6 =	simm.s32 $0xC00;
	[tilespmem:s8+$0xFFFFFFC0] =	vst v5  }
0x4c: {  	[hbm4b:s3+s5] =	stream.linear.scatter [tilespmem:s6], [sflag:$0x2], $0x400, $0x38;
	[tilespmem:$0x1400] =	vst v63  }
0x4d: {  	s2 =	sadd.s32 s2, s4;
	s30 =	simm.s32 $0x1000;
	s31 =	simm.s32 $0x2  }
0x4e: {  	[hbm4b:s2+s5] =	stream.linear.scatter [tilespmem:s30], [sflag:$0x2], $0x400, $0x38;
	[tilespmem:$0x1400] =	vst v63  }
0x4f: {  	_ =	swait.ge [sflag:s31], $0x400  }
0x50: {  	[sflag:s31] =	ssyncset.done $0x0  }
0x51: {  	[sflag:s31] =	ssyncadd.s32 $0xFFFFFC00  }
0x52: {  	_ =	swait.ge [sflag:s31], $0x400  }
0x53: {  	[sflag:s31] =	ssyncset.done $0x0  }
0x54: {  	[sflag:s31] =	ssyncadd.s32 $0xFFFFFC00  }
0x55: {  	_ =	sfence.sel $0x180000  }
0x56: {  	[bflag:$0x0] =	sbarrier.arrive $0xFFFF  }
0x57: {  	p0 =	sne.s32 s1, $0x0;
	_ =	strace $0x90000047  }
0x58: {  	s0 =	sadd.s32 @!p0 $0x100000, s0;
	[bflag:$0x2] =	sbarrier.arrive $0xFFFF  }
0x59: {  	[sflag:s0] =	ssyncadd.tile.s32 @!p0 $0x1;
	_ =	shalt  }
.Lfunc_end2:
_tile_overlayer_lowered:
.L_overlay_start_2:
0x5a: {  	(tag) =	ssettag $0x2  }
0x5b: {  	s0 =	rddreg [dreg:$0x0];
	s2 =	stileid.u32  }
0x5c: {  	s1 =	rddreg [dreg:$0x1];
	p0 =	sne.s32 s2, $0x0  }
0x5d: {  	s3 =	rddreg [dreg:$0x2];
	[bflag:$0x3] =	sbarrier.arrive $0xFFFF;
	s2 =	simm.s32 @!p0 $0x1C03  }
0x5e: {  	[timem:s3], [sflag:s2] =	dma.local @!p0 [hbm:s0], s1  }
0x5f: {  	s0 =	simm.s32 @!p0 $0x3  }
0x60: {  	_ =	swait.ge @!p0 [sflag:s0], s1  }
0x61: {  	s1 =	ssub.s32 @!p0 $0x0, s1;
	[sflag:s0] =	ssyncset.done @!p0 $0x0  }
0x62: {  	[sflag:s0] =	ssyncadd.s32 @!p0 s1  }
0x63: {  	[bflag:$0x3] =	sbarrier.arrive $0xFFFF  }
0x64: {  	_ =	shalt  }

</sc_bundles>
